<compile_context>
chip_gen: v7x
topology: tpu7x:2x2x1
jax: 0.10.2.dev20260603
libtpu: 0.0.44.dev20260713+nightly
codegen_flags: <defaults>
</compile_context>

<pallas_src>
import jax
import jax.numpy as jnp
from jax import lax
from jax.experimental import pallas as pl
from jax.experimental.pallas import tpu as pltpu
from jax.experimental.pallas import tpu_sc as plsc

_NC = 2
_NS = 16
_NW = _NC * _NS
_L = 16


def _build_sampler(B, d_obs, d_act):
    assert B % _NW == 0
    bpw = B // _NW
    assert bpw % 8 == 0 and bpw % _L == 0 and bpw <= 128
    mesh = plsc.VectorSubcoreMesh(core_axis_name="c", subcore_axis_name="s")

    def body(obs_hbm, act_hbm, rew_hbm, nobs_hbm, dw_hbm, idx_hbm,
             obs_out, act_out, rew_out, nobs_out, done_out,
             idx_v, idxw_v, obs_v, act_v, rew_v, nobs_v, dw_v, done_v, sem):
        wid = lax.axis_index("s") * _NC + lax.axis_index("c")
        base = wid * bpw
        pltpu.sync_copy(idx_hbm.at[pl.ds(base, bpw)], idx_v)
        for i in range(bpw // _L):
            s = pl.ds(i * _L, _L)
            idxw_v[s] = lax.shift_right_logical(idx_v[s], 2)
        copies = [
            pltpu.async_copy(obs_hbm.at[idx_v], obs_v, sem),
            pltpu.async_copy(act_hbm.at[idx_v], act_v, sem),
            pltpu.async_copy(rew_hbm.at[idx_v], rew_v, sem),
            pltpu.async_copy(nobs_hbm.at[idx_v], nobs_v, sem),
            pltpu.async_copy(dw_hbm.at[idxw_v], dw_v, sem),
        ]
        for cp in copies:
            cp.wait()
        for i in range(bpw // _L):
            s = pl.ds(i * _L, _L)
            sh = lax.shift_left(lax.bitwise_and(idx_v[s], 3), 3)
            done_v[s] = lax.bitwise_and(
                lax.shift_right_logical(dw_v[s], sh), 0xFF)
        dst = pl.ds(base, bpw)
        pltpu.sync_copy(obs_v, obs_out.at[dst])
        pltpu.sync_copy(act_v, act_out.at[dst])
        pltpu.sync_copy(rew_v, rew_out.at[dst])
        pltpu.sync_copy(nobs_v, nobs_out.at[dst])
        pltpu.sync_copy(done_v, done_out.at[dst])

    return pl.kernel(
        body,
        out_type=(
            jax.ShapeDtypeStruct((B, d_obs), jnp.float32),
            jax.ShapeDtypeStruct((B, d_act), jnp.float32),
            jax.ShapeDtypeStruct((B,), jnp.float32),
            jax.ShapeDtypeStruct((B, d_obs), jnp.float32),
            jax.ShapeDtypeStruct((B,), jnp.int32),
        ),
        mesh=mesh,
        compiler_params=pltpu.CompilerParams(use_tc_tiling_on_sc=False),
        scratch_types=[
            pltpu.VMEM((bpw,), jnp.int32),
            pltpu.VMEM((bpw,), jnp.int32),
            pltpu.VMEM((bpw, d_obs), jnp.float32),
            pltpu.VMEM((bpw, d_act), jnp.float32),
            pltpu.VMEM((bpw,), jnp.float32),
            pltpu.VMEM((bpw, d_obs), jnp.float32),
            pltpu.VMEM((bpw,), jnp.int32),
            pltpu.VMEM((bpw,), jnp.int32),
            pltpu.SemaphoreType.DMA,
        ],
    )


def kernel(obs_mem, action_mem, reward_mem, next_obs_mem, done_mem, idx):
    M, d_obs = obs_mem.shape
    d_act = action_mem.shape[1]
    B = idx.shape[0]
    done_words = lax.bitcast_convert_type(
        done_mem.astype(jnp.uint8).reshape(M // 4, 4), jnp.int32)
    sampler = _build_sampler(B, d_obs, d_act)
    obs_b, act_b, rew_b, nobs_b, done_i = sampler(
        obs_mem, action_mem, reward_mem, next_obs_mem, done_words, idx)
    return obs_b, act_b, rew_b, nobs_b, done_i.astype(jnp.bool_)

# --- scband reference (transcript-rebuilt; emitter-appended) ---
"""Pipeline reference for scband-replay-buffer-82205674045556 (READ-ONLY COPY).

The authoritative reference and input builder live on the scoring server;
editing this copy changes nothing except your own understanding.
"""

import jax, jax.numpy as jnp
import numpy as np

M = 1000000
D_OBS = 32
D_ACT = 8
B = 4096


def setup_inputs(seed: int = 0) -> dict:
    key = jax.random.key(seed)
    k1, k2, k3, k4, k5 = jax.random.split(key, 5)
    return {
        "obs_mem": jax.random.normal(k1, (M, D_OBS), dtype=jnp.float32),
        "action_mem": jax.random.normal(k2, (M, D_ACT), dtype=jnp.float32),
        "reward_mem": jax.random.normal(k3, (M,), dtype=jnp.float32),
        "next_obs_mem": jax.random.normal(k4, (M, D_OBS), dtype=jnp.float32),
        "done_mem": jnp.zeros((M,), dtype=jnp.bool_),
        "idx": jax.random.randint(k5, (B,), 0, M, dtype=jnp.int32),
    }


def reference(obs_mem, action_mem, reward_mem, next_obs_mem, done_mem, idx):
    # Faithful translation of ReplayBuffer.sample(batch_size):
    # the deque-of-arrays buffer is materialized as dense memory tensors;
    # sampling is a row gather at random indices (without-replacement choice
    # modeled as uniform random indices over the buffer).
    obs_b = jnp.take(obs_mem, idx, axis=0)
    action_b = jnp.take(action_mem, idx, axis=0)
    reward_b = jnp.take(reward_mem, idx, axis=0)
    next_obs_b = jnp.take(next_obs_mem, idx, axis=0)
    done_b = jnp.take(done_mem, idx, axis=0)
    return (obs_b, action_b, reward_b, next_obs_b, done_b)

if __name__ == "__main__":
    import jax
    _d = setup_inputs()
    print(jax.jit(kernel)(*tuple(_d.values())))

</pallas_src>

<mosaic_0001>
#map = affine_map<(d0, d1) -> (0, 0)>
#map1 = affine_map<(d0, d1) -> (0)>
module attributes {stable_mosaic.version = 14 : i64} {
  func.func @body(%arg0: i32, %arg1: i32, %arg2: memref<1000000x32xf32, #tpu.memory_space<hbm>>, %arg3: memref<1000000x8xf32, #tpu.memory_space<hbm>>, %arg4: memref<1000000xf32, #tpu.memory_space<hbm>>, %arg5: memref<1000000x32xf32, #tpu.memory_space<hbm>>, %arg6: memref<250000xi32, #tpu.memory_space<hbm>>, %arg7: memref<4096xi32, #tpu.memory_space<hbm>>, %arg8: memref<4096x32xf32, #tpu.memory_space<hbm>>, %arg9: memref<4096x8xf32, #tpu.memory_space<hbm>>, %arg10: memref<4096xf32, #tpu.memory_space<hbm>>, %arg11: memref<4096x32xf32, #tpu.memory_space<hbm>>, %arg12: memref<4096xi32, #tpu.memory_space<hbm>>, %arg13: memref<128xi32, #tpu.memory_space<vmem>>, %arg14: memref<128xi32, #tpu.memory_space<vmem>>, %arg15: memref<128x32xf32, #tpu.memory_space<vmem>>, %arg16: memref<128x8xf32, #tpu.memory_space<vmem>>, %arg17: memref<128xf32, #tpu.memory_space<vmem>>, %arg18: memref<128x32xf32, #tpu.memory_space<vmem>>, %arg19: memref<128xi32, #tpu.memory_space<vmem>>, %arg20: memref<128xi32, #tpu.memory_space<vmem>>, %arg21: memref<!tpu.dma_semaphore, #tpu.memory_space<semaphore_mem>>) attributes {dimension_semantics = [#tpu.dimension_semantics<core_parallel>, #tpu.dimension_semantics<subcore_parallel>], iteration_bounds = array<i64: 2, 16>, scalar_prefetch = 0 : i64, scratch_operands = 9 : i64, tpu.core_type = #tpu.core_type<sc_vector_subcore>, window_params = [{transform_indices = #map}, {transform_indices = #map}, {transform_indices = #map1}, {transform_indices = #map}, {transform_indices = #map1}, {transform_indices = #map1}, {transform_indices = #map}, {transform_indices = #map}, {transform_indices = #map1}, {transform_indices = #map}, {transform_indices = #map1}]} {
    %mul3A = arith.constant 2 : i32
    %mul3A_0 = arith.muli %arg1, %mul3A : i32
    %add3A = arith.addi %mul3A_0, %arg0 : i32
    %mul3A_1 = arith.constant 128 : i32
    %mul3A_2 = arith.muli %add3A, %mul3A_1 : i32
    "tpu.region"() ({
      %run_scoped3A = tpu.sem_alloc : memref<!tpu.dma_semaphore, #tpu.memory_space<semaphore_mem>>
      %dma_start3A_262 = tpu.memref_slice %arg7[%mul3A_2] : memref<4096xi32, #tpu.memory_space<hbm>> -> memref<128xi32, #tpu.memory_space<hbm>>
      %dma_start3A_263 = tpu.memref_slice %arg7[%mul3A_2] : memref<4096xi32, #tpu.memory_space<hbm>> -> memref<128xi32, #tpu.memory_space<hbm>>
      tpu.enqueue_dma source(%dma_start3A_263 : memref<128xi32, #tpu.memory_space<hbm>>) target(%arg13 : memref<128xi32, #tpu.memory_space<vmem>>) target_semaphore(%run_scoped3A : memref<!tpu.dma_semaphore, #tpu.memory_space<semaphore_mem>>)
      %dma_wait3A_264 = tpu.memref_slice %arg7[%mul3A_2] : memref<4096xi32, #tpu.memory_space<hbm>> -> memref<128xi32, #tpu.memory_space<hbm>>
      %dma_wait3A_265 = tpu.memref_slice %arg7[%mul3A_2] : memref<4096xi32, #tpu.memory_space<hbm>> -> memref<128xi32, #tpu.memory_space<hbm>>
      tpu.wait_dma2 semaphore(%run_scoped3A : memref<!tpu.dma_semaphore, #tpu.memory_space<semaphore_mem>>) src(%dma_wait3A_265 : memref<128xi32, #tpu.memory_space<hbm>>) dst(%arg13 : memref<128xi32, #tpu.memory_space<vmem>>)
      tpu.yield
    }) : () -> ()
    %get3A = arith.constant 0 : index
    %get3A_3 = tpu.vector_load %arg13[%get3A] {strides = array<i32>} : memref<128xi32, #tpu.memory_space<vmem>>, vector<16xi32>,
    %get3A_4 = vector.shape_cast %get3A_3 : vector<16xi32> to vector<16xi32>
    %shift_right_logical3A = arith.constant 2 : i32
    %shift_right_logical3A_5 = vector.broadcast %shift_right_logical3A : i32 to vector<16xi32>
    %shift_right_logical3A_6 = arith.shrui %get3A_4, %shift_right_logical3A_5 : vector<16xi32>
    %swap3A = arith.constant 0 : index
    %swap3A_7 = tpu.vector_load %arg14[%swap3A] {strides = array<i32>} : memref<128xi32, #tpu.memory_space<vmem>>, vector<16xi32>,
    %swap3A_8 = vector.shape_cast %swap3A_7 : vector<16xi32> to vector<16xi32>
    %swap3A_9 = vector.shape_cast %shift_right_logical3A_6 : vector<16xi32> to vector<16xi32>
    tpu.vector_store %arg14[%swap3A], %swap3A_9 {strides = array<i32>} : memref<128xi32, #tpu.memory_space<vmem>>, vector<16xi32>,
    %get3A_10 = arith.constant 16 : index
    %get3A_11 = tpu.vector_load %arg13[%get3A_10] {strides = array<i32>} : memref<128xi32, #tpu.memory_space<vmem>>, vector<16xi32>,
    %get3A_12 = vector.shape_cast %get3A_11 : vector<16xi32> to vector<16xi32>
    %shift_right_logical3A_13 = arith.constant 2 : i32
    %shift_right_logical3A_14 = vector.broadcast %shift_right_logical3A_13 : i32 to vector<16xi32>
    %shift_right_logical3A_15 = arith.shrui %get3A_12, %shift_right_logical3A_14 : vector<16xi32>
    %swap3A_16 = arith.constant 16 : index
    %swap3A_17 = tpu.vector_load %arg14[%swap3A_16] {strides = array<i32>} : memref<128xi32, #tpu.memory_space<vmem>>, vector<16xi32>,
    %swap3A_18 = vector.shape_cast %swap3A_17 : vector<16xi32> to vector<16xi32>
    %swap3A_19 = vector.shape_cast %shift_right_logical3A_15 : vector<16xi32> to vector<16xi32>
    tpu.vector_store %arg14[%swap3A_16], %swap3A_19 {strides = array<i32>} : memref<128xi32, #tpu.memory_space<vmem>>, vector<16xi32>,
    %get3A_20 = arith.constant 32 : index
    %get3A_21 = tpu.vector_load %arg13[%get3A_20] {strides = array<i32>} : memref<128xi32, #tpu.memory_space<vmem>>, vector<16xi32>,
    %get3A_22 = vector.shape_cast %get3A_21 : vector<16xi32> to vector<16xi32>
    %shift_right_logical3A_23 = arith.constant 2 : i32
    %shift_right_logical3A_24 = vector.broadcast %shift_right_logical3A_23 : i32 to vector<16xi32>
    %shift_right_logical3A_25 = arith.shrui %get3A_22, %shift_right_logical3A_24 : vector<16xi32>
    %swap3A_26 = arith.constant 32 : index
    %swap3A_27 = tpu.vector_load %arg14[%swap3A_26] {strides = array<i32>} : memref<128xi32, #tpu.memory_space<vmem>>, vector<16xi32>,
    %swap3A_28 = vector.shape_cast %swap3A_27 : vector<16xi32> to vector<16xi32>
    %swap3A_29 = vector.shape_cast %shift_right_logical3A_25 : vector<16xi32> to vector<16xi32>
    tpu.vector_store %arg14[%swap3A_26], %swap3A_29 {strides = array<i32>} : memref<128xi32, #tpu.memory_space<vmem>>, vector<16xi32>,
    %get3A_30 = arith.constant 48 : index
    %get3A_31 = tpu.vector_load %arg13[%get3A_30] {strides = array<i32>} : memref<128xi32, #tpu.memory_space<vmem>>, vector<16xi32>,
    %get3A_32 = vector.shape_cast %get3A_31 : vector<16xi32> to vector<16xi32>
    %shift_right_logical3A_33 = arith.constant 2 : i32
    %shift_right_logical3A_34 = vector.broadcast %shift_right_logical3A_33 : i32 to vector<16xi32>
    %shift_right_logical3A_35 = arith.shrui %get3A_32, %shift_right_logical3A_34 : vector<16xi32>
    %swap3A_36 = arith.constant 48 : index
    %swap3A_37 = tpu.vector_load %arg14[%swap3A_36] {strides = array<i32>} : memref<128xi32, #tpu.memory_space<vmem>>, vector<16xi32>,
    %swap3A_38 = vector.shape_cast %swap3A_37 : vector<16xi32> to vector<16xi32>
    %swap3A_39 = vector.shape_cast %shift_right_logical3A_35 : vector<16xi32> to vector<16xi32>
    tpu.vector_store %arg14[%swap3A_36], %swap3A_39 {strides = array<i32>} : memref<128xi32, #tpu.memory_space<vmem>>, vector<16xi32>,
    %get3A_40 = arith.constant 64 : index
    %get3A_41 = tpu.vector_load %arg13[%get3A_40] {strides = array<i32>} : memref<128xi32, #tpu.memory_space<vmem>>, vector<16xi32>,
    %get3A_42 = vector.shape_cast %get3A_41 : vector<16xi32> to vector<16xi32>
    %shift_right_logical3A_43 = arith.constant 2 : i32
    %shift_right_logical3A_44 = vector.broadcast %shift_right_logical3A_43 : i32 to vector<16xi32>
    %shift_right_logical3A_45 = arith.shrui %get3A_42, %shift_right_logical3A_44 : vector<16xi32>
    %swap3A_46 = arith.constant 64 : index
    %swap3A_47 = tpu.vector_load %arg14[%swap3A_46] {strides = array<i32>} : memref<128xi32, #tpu.memory_space<vmem>>, vector<16xi32>,
    %swap3A_48 = vector.shape_cast %swap3A_47 : vector<16xi32> to vector<16xi32>
    %swap3A_49 = vector.shape_cast %shift_right_logical3A_45 : vector<16xi32> to vector<16xi32>
    tpu.vector_store %arg14[%swap3A_46], %swap3A_49 {strides = array<i32>} : memref<128xi32, #tpu.memory_space<vmem>>, vector<16xi32>,
    %get3A_50 = arith.constant 80 : index
    %get3A_51 = tpu.vector_load %arg13[%get3A_50] {strides = array<i32>} : memref<128xi32, #tpu.memory_space<vmem>>, vector<16xi32>,
    %get3A_52 = vector.shape_cast %get3A_51 : vector<16xi32> to vector<16xi32>
    %shift_right_logical3A_53 = arith.constant 2 : i32
    %shift_right_logical3A_54 = vector.broadcast %shift_right_logical3A_53 : i32 to vector<16xi32>
    %shift_right_logical3A_55 = arith.shrui %get3A_52, %shift_right_logical3A_54 : vector<16xi32>
    %swap3A_56 = arith.constant 80 : index
    %swap3A_57 = tpu.vector_load %arg14[%swap3A_56] {strides = array<i32>} : memref<128xi32, #tpu.memory_space<vmem>>, vector<16xi32>,
    %swap3A_58 = vector.shape_cast %swap3A_57 : vector<16xi32> to vector<16xi32>
    %swap3A_59 = vector.shape_cast %shift_right_logical3A_55 : vector<16xi32> to vector<16xi32>
    tpu.vector_store %arg14[%swap3A_56], %swap3A_59 {strides = array<i32>} : memref<128xi32, #tpu.memory_space<vmem>>, vector<16xi32>,
    %get3A_60 = arith.constant 96 : index
    %get3A_61 = tpu.vector_load %arg13[%get3A_60] {strides = array<i32>} : memref<128xi32, #tpu.memory_space<vmem>>, vector<16xi32>,
    %get3A_62 = vector.shape_cast %get3A_61 : vector<16xi32> to vector<16xi32>
    %shift_right_logical3A_63 = arith.constant 2 : i32
    %shift_right_logical3A_64 = vector.broadcast %shift_right_logical3A_63 : i32 to vector<16xi32>
    %shift_right_logical3A_65 = arith.shrui %get3A_62, %shift_right_logical3A_64 : vector<16xi32>
    %swap3A_66 = arith.constant 96 : index
    %swap3A_67 = tpu.vector_load %arg14[%swap3A_66] {strides = array<i32>} : memref<128xi32, #tpu.memory_space<vmem>>, vector<16xi32>,
    %swap3A_68 = vector.shape_cast %swap3A_67 : vector<16xi32> to vector<16xi32>
    %swap3A_69 = vector.shape_cast %shift_right_logical3A_65 : vector<16xi32> to vector<16xi32>
    tpu.vector_store %arg14[%swap3A_66], %swap3A_69 {strides = array<i32>} : memref<128xi32, #tpu.memory_space<vmem>>, vector<16xi32>,
    %get3A_70 = arith.constant 112 : index
    %get3A_71 = tpu.vector_load %arg13[%get3A_70] {strides = array<i32>} : memref<128xi32, #tpu.memory_space<vmem>>, vector<16xi32>,
    %get3A_72 = vector.shape_cast %get3A_71 : vector<16xi32> to vector<16xi32>
    %shift_right_logical3A_73 = arith.constant 2 : i32
    %shift_right_logical3A_74 = vector.broadcast %shift_right_logical3A_73 : i32 to vector<16xi32>
    %shift_right_logical3A_75 = arith.shrui %get3A_72, %shift_right_logical3A_74 : vector<16xi32>
    %swap3A_76 = arith.constant 112 : index
    %swap3A_77 = tpu.vector_load %arg14[%swap3A_76] {strides = array<i32>} : memref<128xi32, #tpu.memory_space<vmem>>, vector<16xi32>,
    %swap3A_78 = vector.shape_cast %swap3A_77 : vector<16xi32> to vector<16xi32>
    %swap3A_79 = vector.shape_cast %shift_right_logical3A_75 : vector<16xi32> to vector<16xi32>
    tpu.vector_store %arg14[%swap3A_76], %swap3A_79 {strides = array<i32>} : memref<128xi32, #tpu.memory_space<vmem>>, vector<16xi32>,
    %dma_start3A = arith.constant 0 : i32
    %dma_start3A_80 = arith.constant 0 : i32
    %dma_start3A_81 = tpu.memref_slice %arg2[%dma_start3A, %dma_start3A_80] : memref<1000000x32xf32, #tpu.memory_space<hbm>> -> memref<1000000x32xf32, #tpu.memory_space<hbm>>
    tpu.enqueue_indirect_dma source(%dma_start3A_81 : memref<1000000x32xf32, #tpu.memory_space<hbm>>) target(%arg15 : memref<128x32xf32, #tpu.memory_space<vmem>>) offsets(%arg13 : memref<128xi32, #tpu.memory_space<vmem>>) semaphore(%arg21 : memref<!tpu.dma_semaphore, #tpu.memory_space<semaphore_mem>>)
    %dma_start3A_82 = arith.constant 0 : i32
    %dma_start3A_83 = arith.constant 0 : i32
    %dma_start3A_84 = tpu.memref_slice %arg3[%dma_start3A_82, %dma_start3A_83] : memref<1000000x8xf32, #tpu.memory_space<hbm>> -> memref<1000000x8xf32, #tpu.memory_space<hbm>>
    tpu.enqueue_indirect_dma source(%dma_start3A_84 : memref<1000000x8xf32, #tpu.memory_space<hbm>>) target(%arg16 : memref<128x8xf32, #tpu.memory_space<vmem>>) offsets(%arg13 : memref<128xi32, #tpu.memory_space<vmem>>) semaphore(%arg21 : memref<!tpu.dma_semaphore, #tpu.memory_space<semaphore_mem>>)
    %dma_start3A_85 = arith.constant 0 : i32
    %dma_start3A_86 = tpu.memref_slice %arg4[%dma_start3A_85] : memref<1000000xf32, #tpu.memory_space<hbm>> -> memref<1000000xf32, #tpu.memory_space<hbm>>
    tpu.enqueue_indirect_dma source(%dma_start3A_86 : memref<1000000xf32, #tpu.memory_space<hbm>>) target(%arg17 : memref<128xf32, #tpu.memory_space<vmem>>) offsets(%arg13 : memref<128xi32, #tpu.memory_space<vmem>>) semaphore(%arg21 : memref<!tpu.dma_semaphore, #tpu.memory_space<semaphore_mem>>)
    %dma_start3A_87 = arith.constant 0 : i32
    %dma_start3A_88 = arith.constant 0 : i32
    %dma_start3A_89 = tpu.memref_slice %arg5[%dma_start3A_87, %dma_start3A_88] : memref<1000000x32xf32, #tpu.memory_space<hbm>> -> memref<1000000x32xf32, #tpu.memory_space<hbm>>
    tpu.enqueue_indirect_dma source(%dma_start3A_89 : memref<1000000x32xf32, #tpu.memory_space<hbm>>) target(%arg18 : memref<128x32xf32, #tpu.memory_space<vmem>>) offsets(%arg13 : memref<128xi32, #tpu.memory_space<vmem>>) semaphore(%arg21 : memref<!tpu.dma_semaphore, #tpu.memory_space<semaphore_mem>>)
    %dma_start3A_90 = arith.constant 0 : i32
    %dma_start3A_91 = tpu.memref_slice %arg6[%dma_start3A_90] : memref<250000xi32, #tpu.memory_space<hbm>> -> memref<250000xi32, #tpu.memory_space<hbm>>
    tpu.enqueue_indirect_dma source(%dma_start3A_91 : memref<250000xi32, #tpu.memory_space<hbm>>) target(%arg19 : memref<128xi32, #tpu.memory_space<vmem>>) offsets(%arg14 : memref<128xi32, #tpu.memory_space<vmem>>) semaphore(%arg21 : memref<!tpu.dma_semaphore, #tpu.memory_space<semaphore_mem>>)
    %dma_wait3A = arith.constant 0 : i32
    %dma_wait3A_92 = arith.constant 0 : i32
    %dma_wait3A_93 = tpu.memref_slice %arg2[%dma_wait3A, %dma_wait3A_92] : memref<1000000x32xf32, #tpu.memory_space<hbm>> -> memref<1000000x32xf32, #tpu.memory_space<hbm>>
    tpu.wait_indirect_dma semaphore(%arg21 : memref<!tpu.dma_semaphore, #tpu.memory_space<semaphore_mem>>) src(%dma_wait3A_93 : memref<1000000x32xf32, #tpu.memory_space<hbm>>) dst(%arg15 : memref<128x32xf32, #tpu.memory_space<vmem>>)
    %dma_wait3A_94 = arith.constant 0 : i32
    %dma_wait3A_95 = arith.constant 0 : i32
    %dma_wait3A_96 = tpu.memref_slice %arg3[%dma_wait3A_94, %dma_wait3A_95] : memref<1000000x8xf32, #tpu.memory_space<hbm>> -> memref<1000000x8xf32, #tpu.memory_space<hbm>>
    tpu.wait_indirect_dma semaphore(%arg21 : memref<!tpu.dma_semaphore, #tpu.memory_space<semaphore_mem>>) src(%dma_wait3A_96 : memref<1000000x8xf32, #tpu.memory_space<hbm>>) dst(%arg16 : memref<128x8xf32, #tpu.memory_space<vmem>>)
    %dma_wait3A_97 = arith.constant 0 : i32
    %dma_wait3A_98 = tpu.memref_slice %arg4[%dma_wait3A_97] : memref<1000000xf32, #tpu.memory_space<hbm>> -> memref<1000000xf32, #tpu.memory_space<hbm>>
    tpu.wait_indirect_dma semaphore(%arg21 : memref<!tpu.dma_semaphore, #tpu.memory_space<semaphore_mem>>) src(%dma_wait3A_98 : memref<1000000xf32, #tpu.memory_space<hbm>>) dst(%arg17 : memref<128xf32, #tpu.memory_space<vmem>>)
    %dma_wait3A_99 = arith.constant 0 : i32
    %dma_wait3A_100 = arith.constant 0 : i32
    %dma_wait3A_101 = tpu.memref_slice %arg5[%dma_wait3A_99, %dma_wait3A_100] : memref<1000000x32xf32, #tpu.memory_space<hbm>> -> memref<1000000x32xf32, #tpu.memory_space<hbm>>
    tpu.wait_indirect_dma semaphore(%arg21 : memref<!tpu.dma_semaphore, #tpu.memory_space<semaphore_mem>>) src(%dma_wait3A_101 : memref<1000000x32xf32, #tpu.memory_space<hbm>>) dst(%arg18 : memref<128x32xf32, #tpu.memory_space<vmem>>)
    %dma_wait3A_102 = arith.constant 0 : i32
    %dma_wait3A_103 = tpu.memref_slice %arg6[%dma_wait3A_102] : memref<250000xi32, #tpu.memory_space<hbm>> -> memref<250000xi32, #tpu.memory_space<hbm>>
    tpu.wait_indirect_dma semaphore(%arg21 : memref<!tpu.dma_semaphore, #tpu.memory_space<semaphore_mem>>) src(%dma_wait3A_103 : memref<250000xi32, #tpu.memory_space<hbm>>) dst(%arg19 : memref<128xi32, #tpu.memory_space<vmem>>)
    %get3A_104 = arith.constant 0 : index
    %get3A_105 = tpu.vector_load %arg13[%get3A_104] {strides = array<i32>} : memref<128xi32, #tpu.memory_space<vmem>>, vector<16xi32>,
    %get3A_106 = vector.shape_cast %get3A_105 : vector<16xi32> to vector<16xi32>
    %and3A = arith.constant 3 : i32
    %and3A_107 = vector.broadcast %and3A : i32 to vector<16xi32>
    %and3A_108 = arith.andi %get3A_106, %and3A_107 : vector<16xi32>
    %shift_left3A = arith.constant 3 : i32
    %shift_left3A_109 = vector.broadcast %shift_left3A : i32 to vector<16xi32>
    %shift_left3A_110 = arith.shli %and3A_108, %shift_left3A_109 : vector<16xi32>
    %get3A_111 = arith.constant 0 : index
    %get3A_112 = tpu.vector_load %arg19[%get3A_111] {strides = array<i32>} : memref<128xi32, #tpu.memory_space<vmem>>, vector<16xi32>,
    %get3A_113 = vector.shape_cast %get3A_112 : vector<16xi32> to vector<16xi32>
    %shift_right_logical3A_114 = arith.shrui %get3A_113, %shift_left3A_110 : vector<16xi32>
    %and3A_115 = arith.constant 255 : i32
    %and3A_116 = vector.broadcast %and3A_115 : i32 to vector<16xi32>
    %and3A_117 = arith.andi %shift_right_logical3A_114, %and3A_116 : vector<16xi32>
    %swap3A_118 = arith.constant 0 : index
    %swap3A_119 = tpu.vector_load %arg20[%swap3A_118] {strides = array<i32>} : memref<128xi32, #tpu.memory_space<vmem>>, vector<16xi32>,
    %swap3A_120 = vector.shape_cast %swap3A_119 : vector<16xi32> to vector<16xi32>
    %swap3A_121 = vector.shape_cast %and3A_117 : vector<16xi32> to vector<16xi32>
    tpu.vector_store %arg20[%swap3A_118], %swap3A_121 {strides = array<i32>} : memref<128xi32, #tpu.memory_space<vmem>>, vector<16xi32>,
    %get3A_122 = arith.constant 16 : index
    %get3A_123 = tpu.vector_load %arg13[%get3A_122] {strides = array<i32>} : memref<128xi32, #tpu.memory_space<vmem>>, vector<16xi32>,
    %get3A_124 = vector.shape_cast %get3A_123 : vector<16xi32> to vector<16xi32>
    %and3A_125 = arith.constant 3 : i32
    %and3A_126 = vector.broadcast %and3A_125 : i32 to vector<16xi32>
    %and3A_127 = arith.andi %get3A_124, %and3A_126 : vector<16xi32>
    %shift_left3A_128 = arith.constant 3 : i32
    %shift_left3A_129 = vector.broadcast %shift_left3A_128 : i32 to vector<16xi32>
    %shift_left3A_130 = arith.shli %and3A_127, %shift_left3A_129 : vector<16xi32>
    %get3A_131 = arith.constant 16 : index
    %get3A_132 = tpu.vector_load %arg19[%get3A_131] {strides = array<i32>} : memref<128xi32, #tpu.memory_space<vmem>>, vector<16xi32>,
    %get3A_133 = vector.shape_cast %get3A_132 : vector<16xi32> to vector<16xi32>
    %shift_right_logical3A_134 = arith.shrui %get3A_133, %shift_left3A_130 : vector<16xi32>
    %and3A_135 = arith.constant 255 : i32
    %and3A_136 = vector.broadcast %and3A_135 : i32 to vector<16xi32>
    %and3A_137 = arith.andi %shift_right_logical3A_134, %and3A_136 : vector<16xi32>
    %swap3A_138 = arith.constant 16 : index
    %swap3A_139 = tpu.vector_load %arg20[%swap3A_138] {strides = array<i32>} : memref<128xi32, #tpu.memory_space<vmem>>, vector<16xi32>,
    %swap3A_140 = vector.shape_cast %swap3A_139 : vector<16xi32> to vector<16xi32>
    %swap3A_141 = vector.shape_cast %and3A_137 : vector<16xi32> to vector<16xi32>
    tpu.vector_store %arg20[%swap3A_138], %swap3A_141 {strides = array<i32>} : memref<128xi32, #tpu.memory_space<vmem>>, vector<16xi32>,
    %get3A_142 = arith.constant 32 : index
    %get3A_143 = tpu.vector_load %arg13[%get3A_142] {strides = array<i32>} : memref<128xi32, #tpu.memory_space<vmem>>, vector<16xi32>,
    %get3A_144 = vector.shape_cast %get3A_143 : vector<16xi32> to vector<16xi32>
    %and3A_145 = arith.constant 3 : i32
    %and3A_146 = vector.broadcast %and3A_145 : i32 to vector<16xi32>
    %and3A_147 = arith.andi %get3A_144, %and3A_146 : vector<16xi32>
    %shift_left3A_148 = arith.constant 3 : i32
    %shift_left3A_149 = vector.broadcast %shift_left3A_148 : i32 to vector<16xi32>
    %shift_left3A_150 = arith.shli %and3A_147, %shift_left3A_149 : vector<16xi32>
    %get3A_151 = arith.constant 32 : index
    %get3A_152 = tpu.vector_load %arg19[%get3A_151] {strides = array<i32>} : memref<128xi32, #tpu.memory_space<vmem>>, vector<16xi32>,
    %get3A_153 = vector.shape_cast %get3A_152 : vector<16xi32> to vector<16xi32>
    %shift_right_logical3A_154 = arith.shrui %get3A_153, %shift_left3A_150 : vector<16xi32>
    %and3A_155 = arith.constant 255 : i32
    %and3A_156 = vector.broadcast %and3A_155 : i32 to vector<16xi32>
    %and3A_157 = arith.andi %shift_right_logical3A_154, %and3A_156 : vector<16xi32>
    %swap3A_158 = arith.constant 32 : index
    %swap3A_159 = tpu.vector_load %arg20[%swap3A_158] {strides = array<i32>} : memref<128xi32, #tpu.memory_space<vmem>>, vector<16xi32>,
    %swap3A_160 = vector.shape_cast %swap3A_159 : vector<16xi32> to vector<16xi32>
    %swap3A_161 = vector.shape_cast %and3A_157 : vector<16xi32> to vector<16xi32>
    tpu.vector_store %arg20[%swap3A_158], %swap3A_161 {strides = array<i32>} : memref<128xi32, #tpu.memory_space<vmem>>, vector<16xi32>,
    %get3A_162 = arith.constant 48 : index
    %get3A_163 = tpu.vector_load %arg13[%get3A_162] {strides = array<i32>} : memref<128xi32, #tpu.memory_space<vmem>>, vector<16xi32>,
    %get3A_164 = vector.shape_cast %get3A_163 : vector<16xi32> to vector<16xi32>
    %and3A_165 = arith.constant 3 : i32
    %and3A_166 = vector.broadcast %and3A_165 : i32 to vector<16xi32>
    %and3A_167 = arith.andi %get3A_164, %and3A_166 : vector<16xi32>
    %shift_left3A_168 = arith.constant 3 : i32
    %shift_left3A_169 = vector.broadcast %shift_left3A_168 : i32 to vector<16xi32>
    %shift_left3A_170 = arith.shli %and3A_167, %shift_left3A_169 : vector<16xi32>
    %get3A_171 = arith.constant 48 : index
    %get3A_172 = tpu.vector_load %arg19[%get3A_171] {strides = array<i32>} : memref<128xi32, #tpu.memory_space<vmem>>, vector<16xi32>,
    %get3A_173 = vector.shape_cast %get3A_172 : vector<16xi32> to vector<16xi32>
    %shift_right_logical3A_174 = arith.shrui %get3A_173, %shift_left3A_170 : vector<16xi32>
    %and3A_175 = arith.constant 255 : i32
    %and3A_176 = vector.broadcast %and3A_175 : i32 to vector<16xi32>
    %and3A_177 = arith.andi %shift_right_logical3A_174, %and3A_176 : vector<16xi32>
    %swap3A_178 = arith.constant 48 : index
    %swap3A_179 = tpu.vector_load %arg20[%swap3A_178] {strides = array<i32>} : memref<128xi32, #tpu.memory_space<vmem>>, vector<16xi32>,
    %swap3A_180 = vector.shape_cast %swap3A_179 : vector<16xi32> to vector<16xi32>
    %swap3A_181 = vector.shape_cast %and3A_177 : vector<16xi32> to vector<16xi32>
    tpu.vector_store %arg20[%swap3A_178], %swap3A_181 {strides = array<i32>} : memref<128xi32, #tpu.memory_space<vmem>>, vector<16xi32>,
    %get3A_182 = arith.constant 64 : index
    %get3A_183 = tpu.vector_load %arg13[%get3A_182] {strides = array<i32>} : memref<128xi32, #tpu.memory_space<vmem>>, vector<16xi32>,
    %get3A_184 = vector.shape_cast %get3A_183 : vector<16xi32> to vector<16xi32>
    %and3A_185 = arith.constant 3 : i32
    %and3A_186 = vector.broadcast %and3A_185 : i32 to vector<16xi32>
    %and3A_187 = arith.andi %get3A_184, %and3A_186 : vector<16xi32>
    %shift_left3A_188 = arith.constant 3 : i32
    %shift_left3A_189 = vector.broadcast %shift_left3A_188 : i32 to vector<16xi32>
    %shift_left3A_190 = arith.shli %and3A_187, %shift_left3A_189 : vector<16xi32>
    %get3A_191 = arith.constant 64 : index
    %get3A_192 = tpu.vector_load %arg19[%get3A_191] {strides = array<i32>} : memref<128xi32, #tpu.memory_space<vmem>>, vector<16xi32>,
    %get3A_193 = vector.shape_cast %get3A_192 : vector<16xi32> to vector<16xi32>
    %shift_right_logical3A_194 = arith.shrui %get3A_193, %shift_left3A_190 : vector<16xi32>
    %and3A_195 = arith.constant 255 : i32
    %and3A_196 = vector.broadcast %and3A_195 : i32 to vector<16xi32>
    %and3A_197 = arith.andi %shift_right_logical3A_194, %and3A_196 : vector<16xi32>
    %swap3A_198 = arith.constant 64 : index
    %swap3A_199 = tpu.vector_load %arg20[%swap3A_198] {strides = array<i32>} : memref<128xi32, #tpu.memory_space<vmem>>, vector<16xi32>,
    %swap3A_200 = vector.shape_cast %swap3A_199 : vector<16xi32> to vector<16xi32>
    %swap3A_201 = vector.shape_cast %and3A_197 : vector<16xi32> to vector<16xi32>
    tpu.vector_store %arg20[%swap3A_198], %swap3A_201 {strides = array<i32>} : memref<128xi32, #tpu.memory_space<vmem>>, vector<16xi32>,
    %get3A_202 = arith.constant 80 : index
    %get3A_203 = tpu.vector_load %arg13[%get3A_202] {strides = array<i32>} : memref<128xi32, #tpu.memory_space<vmem>>, vector<16xi32>,
    %get3A_204 = vector.shape_cast %get3A_203 : vector<16xi32> to vector<16xi32>
    %and3A_205 = arith.constant 3 : i32
    %and3A_206 = vector.broadcast %and3A_205 : i32 to vector<16xi32>
    %and3A_207 = arith.andi %get3A_204, %and3A_206 : vector<16xi32>
    %shift_left3A_208 = arith.constant 3 : i32
    %shift_left3A_209 = vector.broadcast %shift_left3A_208 : i32 to vector<16xi32>
    %shift_left3A_210 = arith.shli %and3A_207, %shift_left3A_209 : vector<16xi32>
    %get3A_211 = arith.constant 80 : index
    %get3A_212 = tpu.vector_load %arg19[%get3A_211] {strides = array<i32>} : memref<128xi32, #tpu.memory_space<vmem>>, vector<16xi32>,
    %get3A_213 = vector.shape_cast %get3A_212 : vector<16xi32> to vector<16xi32>
    %shift_right_logical3A_214 = arith.shrui %get3A_213, %shift_left3A_210 : vector<16xi32>
    %and3A_215 = arith.constant 255 : i32
    %and3A_216 = vector.broadcast %and3A_215 : i32 to vector<16xi32>
    %and3A_217 = arith.andi %shift_right_logical3A_214, %and3A_216 : vector<16xi32>
    %swap3A_218 = arith.constant 80 : index
    %swap3A_219 = tpu.vector_load %arg20[%swap3A_218] {strides = array<i32>} : memref<128xi32, #tpu.memory_space<vmem>>, vector<16xi32>,
    %swap3A_220 = vector.shape_cast %swap3A_219 : vector<16xi32> to vector<16xi32>
    %swap3A_221 = vector.shape_cast %and3A_217 : vector<16xi32> to vector<16xi32>
    tpu.vector_store %arg20[%swap3A_218], %swap3A_221 {strides = array<i32>} : memref<128xi32, #tpu.memory_space<vmem>>, vector<16xi32>,
    %get3A_222 = arith.constant 96 : index
    %get3A_223 = tpu.vector_load %arg13[%get3A_222] {strides = array<i32>} : memref<128xi32, #tpu.memory_space<vmem>>, vector<16xi32>,
    %get3A_224 = vector.shape_cast %get3A_223 : vector<16xi32> to vector<16xi32>
    %and3A_225 = arith.constant 3 : i32
    %and3A_226 = vector.broadcast %and3A_225 : i32 to vector<16xi32>
    %and3A_227 = arith.andi %get3A_224, %and3A_226 : vector<16xi32>
    %shift_left3A_228 = arith.constant 3 : i32
    %shift_left3A_229 = vector.broadcast %shift_left3A_228 : i32 to vector<16xi32>
    %shift_left3A_230 = arith.shli %and3A_227, %shift_left3A_229 : vector<16xi32>
    %get3A_231 = arith.constant 96 : index
    %get3A_232 = tpu.vector_load %arg19[%get3A_231] {strides = array<i32>} : memref<128xi32, #tpu.memory_space<vmem>>, vector<16xi32>,
    %get3A_233 = vector.shape_cast %get3A_232 : vector<16xi32> to vector<16xi32>
    %shift_right_logical3A_234 = arith.shrui %get3A_233, %shift_left3A_230 : vector<16xi32>
    %and3A_235 = arith.constant 255 : i32
    %and3A_236 = vector.broadcast %and3A_235 : i32 to vector<16xi32>
    %and3A_237 = arith.andi %shift_right_logical3A_234, %and3A_236 : vector<16xi32>
    %swap3A_238 = arith.constant 96 : index
    %swap3A_239 = tpu.vector_load %arg20[%swap3A_238] {strides = array<i32>} : memref<128xi32, #tpu.memory_space<vmem>>, vector<16xi32>,
    %swap3A_240 = vector.shape_cast %swap3A_239 : vector<16xi32> to vector<16xi32>
    %swap3A_241 = vector.shape_cast %and3A_237 : vector<16xi32> to vector<16xi32>
    tpu.vector_store %arg20[%swap3A_238], %swap3A_241 {strides = array<i32>} : memref<128xi32, #tpu.memory_space<vmem>>, vector<16xi32>,
    %get3A_242 = arith.constant 112 : index
    %get3A_243 = tpu.vector_load %arg13[%get3A_242] {strides = array<i32>} : memref<128xi32, #tpu.memory_space<vmem>>, vector<16xi32>,
    %get3A_244 = vector.shape_cast %get3A_243 : vector<16xi32> to vector<16xi32>
    %and3A_245 = arith.constant 3 : i32
    %and3A_246 = vector.broadcast %and3A_245 : i32 to vector<16xi32>
    %and3A_247 = arith.andi %get3A_244, %and3A_246 : vector<16xi32>
    %shift_left3A_248 = arith.constant 3 : i32
    %shift_left3A_249 = vector.broadcast %shift_left3A_248 : i32 to vector<16xi32>
    %shift_left3A_250 = arith.shli %and3A_247, %shift_left3A_249 : vector<16xi32>
    %get3A_251 = arith.constant 112 : index
    %get3A_252 = tpu.vector_load %arg19[%get3A_251] {strides = array<i32>} : memref<128xi32, #tpu.memory_space<vmem>>, vector<16xi32>,
    %get3A_253 = vector.shape_cast %get3A_252 : vector<16xi32> to vector<16xi32>
    %shift_right_logical3A_254 = arith.shrui %get3A_253, %shift_left3A_250 : vector<16xi32>
    %and3A_255 = arith.constant 255 : i32
    %and3A_256 = vector.broadcast %and3A_255 : i32 to vector<16xi32>
    %and3A_257 = arith.andi %shift_right_logical3A_254, %and3A_256 : vector<16xi32>
    %swap3A_258 = arith.constant 112 : index
    %swap3A_259 = tpu.vector_load %arg20[%swap3A_258] {strides = array<i32>} : memref<128xi32, #tpu.memory_space<vmem>>, vector<16xi32>,
    %swap3A_260 = vector.shape_cast %swap3A_259 : vector<16xi32> to vector<16xi32>
    %swap3A_261 = vector.shape_cast %and3A_257 : vector<16xi32> to vector<16xi32>
    tpu.vector_store %arg20[%swap3A_258], %swap3A_261 {strides = array<i32>} : memref<128xi32, #tpu.memory_space<vmem>>, vector<16xi32>,
    "tpu.region"() ({
      %run_scoped3A = tpu.sem_alloc : memref<!tpu.dma_semaphore, #tpu.memory_space<semaphore_mem>>
      %dma_start3A_262 = arith.constant 0 : i32
      %dma_start3A_263 = tpu.memref_slice %arg8[%mul3A_2, %dma_start3A_262] : memref<4096x32xf32, #tpu.memory_space<hbm>> -> memref<128x32xf32, #tpu.memory_space<hbm>>
      %dma_start3A_264 = arith.constant 0 : i32
      %dma_start3A_265 = tpu.memref_slice %arg8[%mul3A_2, %dma_start3A_264] : memref<4096x32xf32, #tpu.memory_space<hbm>> -> memref<128x32xf32, #tpu.memory_space<hbm>>
      tpu.enqueue_dma source(%arg15 : memref<128x32xf32, #tpu.memory_space<vmem>>) target(%dma_start3A_265 : memref<128x32xf32, #tpu.memory_space<hbm>>) target_semaphore(%run_scoped3A : memref<!tpu.dma_semaphore, #tpu.memory_space<semaphore_mem>>)
      %dma_wait3A_266 = arith.constant 0 : i32
      %dma_wait3A_267 = tpu.memref_slice %arg8[%mul3A_2, %dma_wait3A_266] : memref<4096x32xf32, #tpu.memory_space<hbm>> -> memref<128x32xf32, #tpu.memory_space<hbm>>
      %dma_wait3A_268 = arith.constant 0 : i32
      %dma_wait3A_269 = tpu.memref_slice %arg8[%mul3A_2, %dma_wait3A_268] : memref<4096x32xf32, #tpu.memory_space<hbm>> -> memref<128x32xf32, #tpu.memory_space<hbm>>
      tpu.wait_dma2 semaphore(%run_scoped3A : memref<!tpu.dma_semaphore, #tpu.memory_space<semaphore_mem>>) src(%arg15 : memref<128x32xf32, #tpu.memory_space<vmem>>) dst(%dma_wait3A_269 : memref<128x32xf32, #tpu.memory_space<hbm>>)
      tpu.yield
    }) : () -> ()
    "tpu.region"() ({
      %run_scoped3A = tpu.sem_alloc : memref<!tpu.dma_semaphore, #tpu.memory_space<semaphore_mem>>
      %dma_start3A_262 = arith.constant 0 : i32
      %dma_start3A_263 = tpu.memref_slice %arg9[%mul3A_2, %dma_start3A_262] : memref<4096x8xf32, #tpu.memory_space<hbm>> -> memref<128x8xf32, #tpu.memory_space<hbm>>
      %dma_start3A_264 = arith.constant 0 : i32
      %dma_start3A_265 = tpu.memref_slice %arg9[%mul3A_2, %dma_start3A_264] : memref<4096x8xf32, #tpu.memory_space<hbm>> -> memref<128x8xf32, #tpu.memory_space<hbm>>
      tpu.enqueue_dma source(%arg16 : memref<128x8xf32, #tpu.memory_space<vmem>>) target(%dma_start3A_265 : memref<128x8xf32, #tpu.memory_space<hbm>>) target_semaphore(%run_scoped3A : memref<!tpu.dma_semaphore, #tpu.memory_space<semaphore_mem>>)
      %dma_wait3A_266 = arith.constant 0 : i32
      %dma_wait3A_267 = tpu.memref_slice %arg9[%mul3A_2, %dma_wait3A_266] : memref<4096x8xf32, #tpu.memory_space<hbm>> -> memref<128x8xf32, #tpu.memory_space<hbm>>
      %dma_wait3A_268 = arith.constant 0 : i32
      %dma_wait3A_269 = tpu.memref_slice %arg9[%mul3A_2, %dma_wait3A_268] : memref<4096x8xf32, #tpu.memory_space<hbm>> -> memref<128x8xf32, #tpu.memory_space<hbm>>
      tpu.wait_dma2 semaphore(%run_scoped3A : memref<!tpu.dma_semaphore, #tpu.memory_space<semaphore_mem>>) src(%arg16 : memref<128x8xf32, #tpu.memory_space<vmem>>) dst(%dma_wait3A_269 : memref<128x8xf32, #tpu.memory_space<hbm>>)
      tpu.yield
    }) : () -> ()
    "tpu.region"() ({
      %run_scoped3A = tpu.sem_alloc : memref<!tpu.dma_semaphore, #tpu.memory_space<semaphore_mem>>
      %dma_start3A_262 = tpu.memref_slice %arg10[%mul3A_2] : memref<4096xf32, #tpu.memory_space<hbm>> -> memref<128xf32, #tpu.memory_space<hbm>>
      %dma_start3A_263 = tpu.memref_slice %arg10[%mul3A_2] : memref<4096xf32, #tpu.memory_space<hbm>> -> memref<128xf32, #tpu.memory_space<hbm>>
      tpu.enqueue_dma source(%arg17 : memref<128xf32, #tpu.memory_space<vmem>>) target(%dma_start3A_263 : memref<128xf32, #tpu.memory_space<hbm>>) target_semaphore(%run_scoped3A : memref<!tpu.dma_semaphore, #tpu.memory_space<semaphore_mem>>)
      %dma_wait3A_264 = tpu.memref_slice %arg10[%mul3A_2] : memref<4096xf32, #tpu.memory_space<hbm>> -> memref<128xf32, #tpu.memory_space<hbm>>
      %dma_wait3A_265 = tpu.memref_slice %arg10[%mul3A_2] : memref<4096xf32, #tpu.memory_space<hbm>> -> memref<128xf32, #tpu.memory_space<hbm>>
      tpu.wait_dma2 semaphore(%run_scoped3A : memref<!tpu.dma_semaphore, #tpu.memory_space<semaphore_mem>>) src(%arg17 : memref<128xf32, #tpu.memory_space<vmem>>) dst(%dma_wait3A_265 : memref<128xf32, #tpu.memory_space<hbm>>)
      tpu.yield
    }) : () -> ()
    "tpu.region"() ({
      %run_scoped3A = tpu.sem_alloc : memref<!tpu.dma_semaphore, #tpu.memory_space<semaphore_mem>>
      %dma_start3A_262 = arith.constant 0 : i32
      %dma_start3A_263 = tpu.memref_slice %arg11[%mul3A_2, %dma_start3A_262] : memref<4096x32xf32, #tpu.memory_space<hbm>> -> memref<128x32xf32, #tpu.memory_space<hbm>>
      %dma_start3A_264 = arith.constant 0 : i32
      %dma_start3A_265 = tpu.memref_slice %arg11[%mul3A_2, %dma_start3A_264] : memref<4096x32xf32, #tpu.memory_space<hbm>> -> memref<128x32xf32, #tpu.memory_space<hbm>>
      tpu.enqueue_dma source(%arg18 : memref<128x32xf32, #tpu.memory_space<vmem>>) target(%dma_start3A_265 : memref<128x32xf32, #tpu.memory_space<hbm>>) target_semaphore(%run_scoped3A : memref<!tpu.dma_semaphore, #tpu.memory_space<semaphore_mem>>)
      %dma_wait3A_266 = arith.constant 0 : i32
      %dma_wait3A_267 = tpu.memref_slice %arg11[%mul3A_2, %dma_wait3A_266] : memref<4096x32xf32, #tpu.memory_space<hbm>> -> memref<128x32xf32, #tpu.memory_space<hbm>>
      %dma_wait3A_268 = arith.constant 0 : i32
      %dma_wait3A_269 = tpu.memref_slice %arg11[%mul3A_2, %dma_wait3A_268] : memref<4096x32xf32, #tpu.memory_space<hbm>> -> memref<128x32xf32, #tpu.memory_space<hbm>>
      tpu.wait_dma2 semaphore(%run_scoped3A : memref<!tpu.dma_semaphore, #tpu.memory_space<semaphore_mem>>) src(%arg18 : memref<128x32xf32, #tpu.memory_space<vmem>>) dst(%dma_wait3A_269 : memref<128x32xf32, #tpu.memory_space<hbm>>)
      tpu.yield
    }) : () -> ()
    "tpu.region"() ({
      %run_scoped3A = tpu.sem_alloc : memref<!tpu.dma_semaphore, #tpu.memory_space<semaphore_mem>>
      %dma_start3A_262 = tpu.memref_slice %arg12[%mul3A_2] : memref<4096xi32, #tpu.memory_space<hbm>> -> memref<128xi32, #tpu.memory_space<hbm>>
      %dma_start3A_263 = tpu.memref_slice %arg12[%mul3A_2] : memref<4096xi32, #tpu.memory_space<hbm>> -> memref<128xi32, #tpu.memory_space<hbm>>
      tpu.enqueue_dma source(%arg20 : memref<128xi32, #tpu.memory_space<vmem>>) target(%dma_start3A_263 : memref<128xi32, #tpu.memory_space<hbm>>) target_semaphore(%run_scoped3A : memref<!tpu.dma_semaphore, #tpu.memory_space<semaphore_mem>>)
      %dma_wait3A_264 = tpu.memref_slice %arg12[%mul3A_2] : memref<4096xi32, #tpu.memory_space<hbm>> -> memref<128xi32, #tpu.memory_space<hbm>>
      %dma_wait3A_265 = tpu.memref_slice %arg12[%mul3A_2] : memref<4096xi32, #tpu.memory_space<hbm>> -> memref<128xi32, #tpu.memory_space<hbm>>
      tpu.wait_dma2 semaphore(%run_scoped3A : memref<!tpu.dma_semaphore, #tpu.memory_space<semaphore_mem>>) src(%arg20 : memref<128xi32, #tpu.memory_space<vmem>>) dst(%dma_wait3A_265 : memref<128xi32, #tpu.memory_space<hbm>>)
      tpu.yield
    }) : () -> ()
    return
  }
}

</mosaic_0001>

<sc_bundles>
// kernel: kernel.3.cloned.1.call-start
scs
__scs_entry_jumppad:
0x0: {  	(pc) =	sbr.rel $0x88, $3  }
0x1: {  	(tag) =	ssettag $0x0;
	lr =	simm.s32 $0x1  }
0x2: {  	[smem:$0x3F9B] =	sst lr;
	_ =	strace $0xD0000000  }
0x3: {  	_ = 	snop  }
0x4: {  	_ = 	snop  }
0x5: {  	_ = 	snop  }
0x6: {  	_ = 	snop  }
0x7: {  	_ = 	snop  }
__scs_overlays_trampoline_lowered:
0x8: {  	[smem:$0x3FAA] =	sst s0  }
0x9: {  	[smem:$0x3FAB] =	sst s1  }
0xa: {  	[smem:$0x3FAC] =	sst s2  }
0xb: {  	[smem:$0x3FAD] =	sst s3  }
0xc: {  	[smem:$0x3FAE] =	sst s4  }
0xd: {  	[smem:$0x3FAF] =	sst s5  }
0xe: {  	[smem:$0x3FB0] =	sst s6  }
0xf: {  	[smem:$0x3FB1] =	sst s7  }
0x10: {  	[smem:$0x3FB2] =	sst s8  }
0x11: {  	[smem:$0x3FB3] =	sst s9;
	s0 =	simm.s32 @!p0 $0x0  }
0x12: {  	s1 =	sld [smem:$0x3F99];
	s0 =	simm.s32 @p0 $0x1  }
0x13: {  	[smem:$0x3FB4] =	sst s0;
	s0 =	simm.s32 @!p1 $0x0  }
0x14: {  	s2 =	sld [smem:$0x3F98];
	s0 =	simm.s32 @p1 $0x1  }
0x15: {  	[smem:$0x3FB5] =	sst s0;
	s0 =	simm.s32 @!p2 $0x0  }
0x16: {  	s3 =	sld [smem:$0x3FDB];
	s0 =	simm.s32 @p2 $0x1  }
0x17: {  	s4 =	simm.s32 $0x1BF5;
	[smem:$0x3FB7] =	sst s0  }
0x18: {  	s0 =	sld [smem:$0x3F9A];
	_ =	swait.ge [sflag:s4], $0x0  }
0x19: {  	s7 =	sld [smem:$0x3F9B]  }
0x1a: {  	s8 =	sadd.s32 $0xFFFFE003, lr  }
0x1b: {  	s9 =	sadd.s32 $0xFFFFFEF7, lr;
	s5 =	simm.s32 $0xFFFFFFFF;
	p2 =	slt.u32 s8, $0xFFFFF086  }
0x1c: {  	p1 =	slt.u32 s9, $0xF7A;
	s5 =	simm.s32 @!p2 $0x0  }
0x1d: {  	s5 =	simm.s32 @p1 $0x1;
	p0 =	seq.s32 s7, s2  }
0x1e: {  	s7 =	smul.u32 @!p0 $0xF7A, s2;
	p2 =	seq.s32 @!p0 s5, $0x0  }
0x1f: {  	s9 =	smul.u32 $0xF7A, s1;
	s8 =	simm.s32 @!p0 $0x1BF5;
	p2 =	por !p2, p0  }
0x20: {  	[sflag:s8] =	ssyncset.s32 @!p0 $0xFFFFF086;
	s6 =	sadd.s32 @!p0 s3, s7;
	s7 =	simm.s32 @!p0 $0x108  }
0x21: {  	s3 =	sadd.s32 s3, s9;
	s6 =	sadd.s32 @!p0 $0x88, s6;
	s7 =	simm.s32 @p2 $0x1082  }
0x22: {  	[simem:s7], [sflag:s8] =	dma.local @!p0 [hbm:s6], $0xF7A  }
0x23: {  	s9 =	sor.u32 $0xD0000000, s2;
	s6 =	simm.s32 $0x108;
	_ =	swait.ge @!p0 [sflag:s8], $0x0  }
0x24: {  	s3 =	sadd.s32 $0x88, s3;
	s6 =	simm.s32 @!p1 $0x1082;
	[sflag:s4] =	ssyncset.s32 $0xFFFFF086  }
0x25: {  	[simem:s6], [sflag:s4] =	dma.local [hbm:s3], $0xF7A  }
0x26: {  	[smem:$0x3F9B] =	sst s1;
	(tag) =	ssettag s2;
	_ =	strace s9  }
0x27: {  	s1 =	sld [smem:$0x3FAB]  }
0x28: {  	s2 =	sld [smem:$0x3FAC]  }
0x29: {  	s4 =	sld [smem:$0x3FAE]  }
0x2a: {  	p0 =	seq.s32 s5, $0x0;
	s5 =	sld [smem:$0x3FAF]  }
0x2b: {  	s6 =	sld [smem:$0x3FB0]  }
0x2c: {  	s7 =	sld [smem:$0x3FB1]  }
0x2d: {  	s3 =	simm.s32 $0x108;
	s8 =	sld [smem:$0x3FB2]  }
0x2e: {  	s3 =	simm.s32 @!p0 $0x1082;
	s9 =	sld [smem:$0x3FB3]  }
0x2f: {  	lr =	sadd.s32 s0, s3;
	s0 =	sld [smem:$0x3FAA]  }
0x30: {  	s3 =	sld [smem:$0x3FAD]  }
0x31: {  	[smem:$0x3FB6] =	sst s10  }
0x32: {  	s10 =	sld [smem:$0x3FB4];
	_ =	sdelay $0x3  }
0x33: {  	p0 =	seq.s32 s10, $0x1;
	s10 =	sld [smem:$0x3FB6];
	_ =	sdelay $0x3  }
0x34: {  	[smem:$0x3FB6] =	sst s10  }
0x35: {  	s10 =	sld [smem:$0x3FB5];
	_ =	sdelay $0x3  }
0x36: {  	p1 =	seq.s32 s10, $0x1;
	s10 =	sld [smem:$0x3FB6];
	_ =	sdelay $0x3  }
0x37: {  	[smem:$0x3FB6] =	sst s10  }
0x38: {  	s10 =	sld [smem:$0x3FB7]  }
0x39: {  	_ = 	snop;
	(pc) =	sbr.ind lr, $3  }
0x3a: {  	_ = 	snop  }
0x3b: {  	_ = 	snop  }
0x3c: {  	p2 =	seq.s32 s10, $0x1;
	s10 =	sld [smem:$0x3FB6]  }
0x3d: {  	_ =	shalt  }
0x3e: {  	_ =	shalt  }
0x3f: {  	_ =	shalt  }
0x40: {  	_ =	shalt  }
0x41: {  	_ =	shalt  }
0x42: {  	_ =	shalt  }
0x43: {  	_ =	shalt  }
0x44: {  	_ =	shalt  }
0x45: {  	_ =	shalt  }
0x46: {  	_ =	shalt  }
0x47: {  	_ =	shalt  }
0x48: {  	_ =	shalt  }
0x49: {  	_ =	shalt  }
0x4a: {  	_ =	shalt  }
0x4b: {  	_ =	shalt  }
0x4c: {  	_ =	shalt  }
0x4d: {  	_ =	shalt  }
0x4e: {  	_ =	shalt  }
0x4f: {  	_ =	shalt  }
0x50: {  	_ =	shalt  }
0x51: {  	_ =	shalt  }
0x52: {  	_ =	shalt  }
0x53: {  	_ =	shalt  }
0x54: {  	_ =	shalt  }
0x55: {  	_ =	shalt  }
0x56: {  	_ =	shalt  }
0x57: {  	_ =	shalt  }
0x58: {  	_ =	shalt  }
0x59: {  	_ =	shalt  }
0x5a: {  	_ =	shalt  }
0x5b: {  	_ =	shalt  }
0x5c: {  	_ =	shalt  }
0x5d: {  	_ =	shalt  }
0x5e: {  	_ =	shalt  }
0x5f: {  	_ =	shalt  }
0x60: {  	_ =	shalt  }
0x61: {  	_ =	shalt  }
0x62: {  	_ =	shalt  }
0x63: {  	_ =	shalt  }
0x64: {  	_ =	shalt  }
0x65: {  	_ =	shalt  }
0x66: {  	_ =	shalt  }
0x67: {  	_ =	shalt  }
0x68: {  	_ =	shalt  }
0x69: {  	_ =	shalt  }
0x6a: {  	_ =	shalt  }
0x6b: {  	_ =	shalt  }
0x6c: {  	_ =	shalt  }
0x6d: {  	_ =	shalt  }
0x6e: {  	_ =	shalt  }
0x6f: {  	_ =	shalt  }
0x70: {  	_ =	shalt  }
0x71: {  	_ =	shalt  }
0x72: {  	_ =	shalt  }
0x73: {  	_ =	shalt  }
0x74: {  	_ =	shalt  }
0x75: {  	_ =	shalt  }
0x76: {  	_ =	shalt  }
0x77: {  	_ =	shalt  }
0x78: {  	_ =	shalt  }
0x79: {  	_ =	shalt  }
0x7a: {  	_ =	shalt  }
0x7b: {  	_ =	shalt  }
0x7c: {  	_ =	shalt  }
0x7d: {  	_ =	shalt  }
0x7e: {  	_ =	shalt  }
0x7f: {  	_ =	shalt  }
0x80: {  	_ =	shalt  }
0x81: {  	_ =	shalt  }
0x82: {  	_ =	shalt  }
0x83: {  	_ =	shalt  }
0x84: {  	_ =	shalt  }
0x85: {  	_ =	shalt  }
0x86: {  	_ =	shalt  }
0x87: {  	_ =	shalt  }
.Lfunc_end0:
.L_simem_size_0:
called_computation_lowered:
.L_overlay_start_0:
0x88: {  	s2 =	sld [smem:$0x3FD9]  }
0x89: {  	s3 =	sld [smem:$0x3FFE];
	_ =	sdelay $0x1  }
0x8a: {  	s1 =	srdreg.scid  }
0x8b: {  	s0 =	sand.u32 $0x1, s1  }
0x8c: {  	s14 =	sshll.u32 s0, $0xA;
	s2 =	sadd.s32 s3, s2  }
0x8d: {  	s2 =	sadd.s32 s2, s14  }
0x8e: {  	[smem:$0x3FC2] =	sst s2  }
0x8f: {  	_ = 	snop  }
0x90: {  	s2 =	sld [smem:$0x3FD0];
	_ =	sdelay $0x1  }
0x91: {  	s15 =	sld [smem:$0x3FC7]  }
0x92: {  	s5 =	simm.s32 $0xA;
	s6 =	simm.s32 $0x10;
	s4 =	sld [smem:$0x3FC4]  }
0x93: {  	[smem:s6], [sflag:s5] =	dma.local [hbm:s2], $0x1  }
0x94: {  	_ =	swait.eq [sflag:s5], $0x1  }
0x95: {  	s16 =	sld [smem:$0x10]  }
0x96: {  	s17 =	sld [smem:$0x11];
	[sflag:s5] =	ssyncset.done $0x0  }
0x97: {  	s7 =	sld [smem:$0x12];
	[sflag:s5] =	ssyncadd.s32 $0xFFFFFFFF  }
0x98: {  	s18 =	sld [smem:$0x13];
	(tm) =	ssettm $0x1  }
0x99: {  	s8 =	sld [smem:$0x3FFB];
	_ =	sdelay $0x3  }
0x9a: {  	_ =	strace s8  }
0x9b: {  	s8 =	sld [smem:$0x3FFC];
	_ =	sdelay $0x3  }
0x9c: {  	_ =	strace s8  }
0x9d: {  	s8 =	sld [smem:$0x3FFD];
	_ =	sdelay $0x3  }
0x9e: {  	_ =	strace s8  }
0x9f: {  	_ =	strace $0x8FFFFFFF  }
0xa0: {  	s19 =	sld [smem:$0x3FDB];
	_ =	sdelay $0x1  }
0xa1: {  	s9 =	simm.s32 $_scs_section_size  }
0xa2: {  	s10 =	simm.s32 $_size__tile_overlayer_lowered;
	s11 =	simm.s32 $_tile_overlayer_lowered  }
0xa3: {  	s22 =	simm.s32 $0x1BFF;
	s21 =	sshll.u32 s11, $0x1;
	s8 =	sadd.s32 s9, s19  }
0xa4: {  	s12 =	simm.s32 $0x0;
	s20 =	sshll.u32 s10, $0x1;
	s10 =	sadd.s32 s21, s8  }
0xa5: {  	[timem:s12], [sflag:s22] =	dma.local [hbm:s10], s20  }
0xa6: {  	_ =	swait.ge [sflag:s22], s20  }
0xa7: {  	s9 =	ssub.s32 $0x0, s20;
	[sflag:s22] =	ssyncset.done $0x0  }
0xa8: {  	[sflag:s22] =	ssyncadd.s32 s9;
	_ =	sdelay $0x1  }
0xa9: {  	s23 =	simm.s32 $0x1B8B  }
0xaa: {  	_ =	swait.ge [sflag:s23], $0x1  }
0xab: {  	[sflag:s23] =	ssyncset.done $0x0  }
0xac: {  	s25 =	simm.s32 $0x1B8E;
	s24 =	sld [smem:$0x3FFE];
	[sflag:s23] =	ssyncadd.s32 $0xFFFFFFFF  }
0xad: {  	s26 =	simm.s32 $execute0_lowered;
	[smem:$0x3FD2] =	sst s25  }
0xae: {  	s10 =	sshll.u32 s26, $0x1;
	_ =	strace $0x80000046;
	[dreg:$0x1] =	wrdreg $0xFFFFFFFF  }
0xaf: {  	s28 =	simm.s32 $_size_execute0_lowered;
	s8 =	sadd.s32 s8, s10;
	[dreg:$0x0] =	wrdreg $0x0  }
0xb0: {  	s10 =	sshll.u32 s28, $0x1;
	[dreg:$0x2] =	wrdreg s8  }
0xb1: {  	[dreg:$0x3] =	wrdreg s10  }
0xb2: {  	[dreg:$0x4] =	wrdreg $0xC0  }
0xb3: {  	_ =	task [dreg:s12], $0x5FFFF  }
0xb4: {  	[dreg:$0x1] =	wrdreg $0xFFFFFFFF  }
0xb5: {  	[dreg:$0x0] =	wrdreg $0x60  }
0xb6: {  	[dreg:$0x2] =	wrdreg s24  }
0xb7: {  	[dreg:$0x3] =	wrdreg s15  }
0xb8: {  	[dreg:$0x4] =	wrdreg s4  }
0xb9: {  	[dreg:$0x5] =	wrdreg s16  }
0xba: {  	[dreg:$0x6] =	wrdreg s17  }
0xbb: {  	[dreg:$0x7] =	wrdreg s7  }
0xbc: {  	[dreg:$0x8] =	wrdreg s18  }
0xbd: {  	[dreg:$0x9] =	wrdreg $0x9  }
0xbe: {  	_ =	task.clear_ibuf [dreg:s12], $0xAFFFF;
	_ =	strace $0x90000046  }
0xbf: {  	s29 =	simm.s32 $0x9;
	_ =	strace $0x80000048  }
0xc0: {  	_ =	swait.ge [sflag:s29], $0x1  }
0xc1: {  	[sflag:s29] =	ssyncadd.s32 $0xFFFFFFFF  }
0xc2: {  	_ =	strace $0x90000048  }
0xc3: {  	_ =	sfence  }
0xc4: {  	s30 =	sld [smem:$0x0];
	_ =	sdelay $0x2  }
0xc5: {  	s31 =	sshll.u32 s1, $0xD;
	s1 =	sshrl.u32 s1, $0x2  }
0xc6: {  	s3 =	sand.u32 $0x4000, s31;
	s1 =	sadd.s32 s1, s30  }
0xc7: {  	s0 =	sor.u32 s3, s0;
	s1 =	sshll.u32 s1, $0x11  }
0xc8: {  	s0 =	sor.u32 s1, s0  }
0xc9: {  	s0 =	sadd.s32 $0x8F2B, s0  }
0xca: {  	[sflag:s0] =	ssyncadd.remote.s32 $0x1  }
0xcb: {  	_ =	sfence.sel $0xFFFF  }
0xcc: {  	[dreg:$0x0] =	wrdreg $0xFFFFFFFF;
	(pc) =	sbr.abs _section_cstart, $3  }
0xcd: {  	[dreg:$0x1] =	wrdreg $0xFFFFFFFF  }
0xce: {  	_ =	task.clear_ibuf [dreg:s12], $0x2FFFF;
	_ =	strace $0x9FFFFFFF  }
0xcf: {  	(tm) =	ssettm $0x7FFFFFFF  }
tec
execute0_lowered:
.L_overlay_start_1:
0x0: {  	(tag) =	ssettag $0x1  }
0x1: {  	s10 =	rddreg [dreg:$0x0]  }
0x2: {  	s8 =	rddreg [dreg:$0x1]  }
0x3: {  	s3 =	rddreg [dreg:$0x2]  }
0x4: {  	s11 =	rddreg [dreg:$0x3]  }
0x5: {  	s12 =	rddreg [dreg:$0x4];
	s1 =	srdreg.scid  }
0x6: {  	s14 =	rddreg [dreg:$0x5];
	s0 =	stileid.u32;
	s23 =	sand.u32 $0x1, s1  }
0x7: {  	s13 =	rddreg [dreg:$0x6];
	s4 =	sshll.u32 s0, $0x8;
	s5 =	sshll.u32 s23, $0x7  }
0x8: {  	s2 =	simm.s32 $0x0;
	s1 =	rddreg [dreg:$0x7];
	s15 =	sor.u32 s5, s4  }
0x9: {  	[smem:$0x7FF] =	sst s2;
	s24 =	sshrl.u32 s15, $0x3  }
0xa: {  	_ =	strace $0x80000047;
	s9 =	sadd.s32 s3, s24;
	s3 =	simm.s32 $0x2  }
0xb: {  	[tilespmem:s2], [sflag:$0x2] =	stream.linear.gather [hbm4b:s9+s2], $0x80, $0x38;
	[tilespmem:$0x2680] =	vst v63  }
0xc: {  	_ =	swait.ge [sflag:s3], $0x80  }
0xd: {  	[sflag:s3] =	ssyncset.done $0x0  }
0xe: {  	[sflag:s3] =	ssyncadd.s32 $0xFFFFFF80  }
0xf: {  	v0 =	vld [tilespmem:$0x40]  }
0x10: {  	v1 =	vld [tilespmem:$0x60]  }
0x11: {  	v2 =	vld [tilespmem:$0x30]  }
0x12: {  	v3 =	vld [tilespmem:$0x70]  }
0x13: {  	v4 =	vld [tilespmem:$0x10]  }
0x14: {  	v5 =	vld [tilespmem:$0x0];
	v0 =	vshrl.u32 v0, $0x2  }
0x15: {  	v6 =	vld [tilespmem:$0x20];
	v1 =	vshrl.u32 v1, $0x2;
	[tilespmem:$0xC0] =	vst v0  }
0x16: {  	v2 =	vshrl.u32 v2, $0x2;
	v0 =	vld [tilespmem:$0x50];
	[tilespmem:$0xE0] =	vst v1  }
0x17: {  	v1 =	vshrl.u32 v3, $0x2;
	[tilespmem:$0xB0] =	vst v2  }
0x18: {  	v2 =	vshrl.u32 v4, $0x2;
	[tilespmem:$0xF0] =	vst v1  }
0x19: {  	v1 =	vshrl.u32 v5, $0x2;
	[tilespmem:$0x90] =	vst v2  }
0x1a: {  	[tilespmem:$0x80] =	vst v1;
	v1 =	vshrl.u32 v6, $0x2  }
0x1b: {  	[tilespmem:$0xA0] =	vst v1;
	v0 =	vshrl.u32 v0, $0x2  }
0x1c: {  	s17 =	simm.s32 $0x80;
	s6 =	simm.s32 $0x100;
	s16 =	sadd.s32 $0xF42C00, s10;
	[tilespmem:$0xD0] =	vst v0  }
0x1d: {  	[tilespmem:s6], [sflag:$0x1] =	stream.indirect.gather [hbm4b:s16+s17], $0x20, s2, s17, $0xb8;
	[tilespmem:$0x2680] =	vst v63  }
0x1e: {  	s7 =	simm.s32 $0x1100;
	s18 =	sadd.s32 $0x16E4000, s10  }
0x1f: {  	[tilespmem:s7], [sflag:$0x1] =	stream.indirect.gather [hbm4b:s18+s17], $0x8, s2, s17, $0xb8;
	[tilespmem:$0x2680] =	vst v63  }
0x20: {  	s5 =	simm.s32 $0x1500  }
0x21: {  	[tilespmem:s5], [sflag:$0x1] =	stream.indirect.gather [hbm4b:s8+s17], $0x1, s2, s17, $0xb8;
	[tilespmem:$0x2680] =	vst v63  }
0x22: {  	s19 =	sadd.s32 $0x1313600, s10;
	s4 =	simm.s32 $0x1580  }
0x23: {  	[tilespmem:s4], [sflag:$0x1] =	stream.indirect.gather [hbm4b:s19+s17], $0x20, s2, s17, $0xb8;
	[tilespmem:$0x2680] =	vst v63  }
0x24: {  	s21 =	simm.s32 $0x2580;
	s22 =	simm.s32 $0x1;
	s20 =	sadd.s32 $0x800, s10  }
0x25: {  	[tilespmem:s21], [sflag:$0x1] =	stream.indirect.gather [hbm4b:s20+s17], $0x1, s17, s17, $0xb8;
	[tilespmem:$0x2680] =	vst v63  }
0x26: {  	_ =	swait.ge [sflag:s22], $0x1000  }
0x27: {  	[sflag:s22] =	ssyncset.done $0x0  }
0x28: {  	[sflag:s22] =	ssyncadd.s32 $0xFFFFF000  }
0x29: {  	_ =	swait.ge [sflag:s22], $0x400  }
0x2a: {  	[sflag:s22] =	ssyncset.done $0x0  }
0x2b: {  	[sflag:s22] =	ssyncadd.s32 $0xFFFFFC00  }
0x2c: {  	_ =	swait.ge [sflag:s22], $0x80  }
0x2d: {  	[sflag:s22] =	ssyncset.done $0x0  }
0x2e: {  	[sflag:s22] =	ssyncadd.s32 $0xFFFFFF80  }
0x2f: {  	_ =	swait.ge [sflag:s22], $0x1000  }
0x30: {  	[sflag:s22] =	ssyncset.done $0x0  }
0x31: {  	s23 =	ssub.s32 $0x2, s23;
	[sflag:s22] =	ssyncadd.s32 $0xFFFFF000  }
0x32: {  	s25 =	sshrl.u32 s23, $0x1;
	_ =	swait.ge [sflag:s22], $0x80  }
0x33: {  	s23 =	ssub.s32 s23, s25;
	[sflag:s22] =	ssyncset.done $0x0  }
0x34: {  	s23 =	smax.u32 s23, $0x1;
	[sflag:s22] =	ssyncadd.s32 $0xFFFFFF80  }
0x35: {  	p0 =	sne.s32 s23, $0x1;
	v0 =	vld [tilespmem:$0x25C0]  }
.Ltmp0:
0x36: {  	v1 =	vld [tilespmem:$0x25B0];
	(pc) =	sbr.rel @!p0 .LBB2_2-.Ltmp0, $4  }
0x37: {  	v3 =	vld [tilespmem:$0x25D0]  }
0x38: {  	s31 =	sshll.u32 s15, $0x2;
	s30 =	sadd.s32 s24, s10;
	s10 =	sadd.s32 s14, s24;
	v4 =	vld [tilespmem:$0x50]  }
0x39: {  	s14 =	sadd.s32 s12, s15;
	s15 =	sadd.s32 s11, s31;
	s12 =	sadd.s32 s13, s31;
	v2 =	vld [tilespmem:$0x2590]  }
0x3a: {  	s13 =	simm.s32 $0x2600;
	s11 =	sadd.s32 $0x8400, s30;
	s23 =	sadd.s32 $0xFFFFFFFF, s23;
	v5 =	vld [tilespmem:$0x10]  }
.LBB2_1:
0x3b: {  	p0 =	sne.s32 s23, $0x1;
	s23 =	sadd.s32 $0xFFFFFFFF, s23;
	v6 =	vld [tilespmem:$0x40]  }
0x3c: {  	v7 =	vld [tilespmem:$0x30]  }
0x3d: {  	v8 =	vld [tilespmem:$0x0]  }
0x3e: {  	v9 =	vld [tilespmem:$0x20]  }
0x3f: {  	v4 =	vshll.u32 v4, $0x3;
	v10 =	vld [tilespmem:$0x2580];
	v5 =	vshll.u32 v5, $0x3  }
0x40: {  	v4 =	vand.u32 $0x18, v4;
	v5 =	vand.u32 $0x18, v5;
	v11 =	vld [tilespmem:$0x25A0];
	v6 =	vshll.u32 v6, $0x3  }
0x41: {  	v3 =	vshrl.u32 v3, v4;
	v2 =	vshrl.u32 v2, v5;
	v5 =	vshll.u32 v7, $0x3;
	v4 =	vld [tilespmem:$0x60]  }
0x42: {  	v3 =	vand.u32 $0xFF, v3;
	v7 =	vshll.u32 v8, $0x3;
	v2 =	vand.u32 $0xFF, v2;
	v8 =	vld [tilespmem:$0x70]  }
0x43: {  	v5 =	vand.u32 $0x18, v5;
	v7 =	vand.u32 $0x18, v7;
	v9 =	vshll.u32 v9, $0x3;
	[tilespmem:$0x2650] =	vst v3;
	v3 =	vld [tilespmem:$0x25E0]  }
0x44: {  	v1 =	vshrl.u32 v1, v5;
	v7 =	vshrl.u32 v10, v7;
	v9 =	vand.u32 $0x18, v9;
	v5 =	vld [tilespmem:$0x25F0]  }
0x45: {  	v1 =	vand.u32 $0xFF, v1;
	v7 =	vand.u32 $0xFF, v7;
	v9 =	vshrl.u32 v11, v9  }
0x46: {  	v6 =	vand.u32 $0x18, v6;
	[tilespmem:$0x2600] =	vst v7;
	v7 =	vand.u32 $0xFF, v9;
	v4 =	vshll.u32 v4, $0x3  }
0x47: {  	v0 =	vshrl.u32 v0, v6;
	[tilespmem:$0x2620] =	vst v7;
	v4 =	vand.u32 $0x18, v4;
	v6 =	vshll.u32 v8, $0x3  }
0x48: {  	v0 =	vand.u32 $0xFF, v0;
	[tilespmem:$0x2630] =	vst v1;
	v1 =	vshrl.u32 v3, v4;
	v3 =	vand.u32 $0x18, v6  }
0x49: {  	[tilespmem:$0x2640] =	vst v0;
	v0 =	vand.u32 $0xFF, v1;
	v1 =	vshrl.u32 v5, v3  }
0x4a: {  	[tilespmem:$0x2660] =	vst v0;
	v0 =	vand.u32 $0xFF, v1  }
0x4b: {  	[tilespmem:$0x2670] =	vst v0  }
0x4c: {  	[tilespmem:$0x2610] =	vst v2  }
0x4d: {  	[hbm4b:s15+s2] =	stream.linear.scatter [tilespmem:s6], [sflag:$0x2], $0x1000, $0x38;
	[tilespmem:$0x2680] =	vst v63  }
0x4e: {  	_ =	swait.ge [sflag:s3], $0x1000  }
0x4f: {  	[sflag:s3] =	ssyncset.done $0x0  }
0x50: {  	[sflag:s3] =	ssyncadd.s32 $0xFFFFF000  }
0x51: {  	[hbm4b:s14+s2] =	stream.linear.scatter [tilespmem:s7], [sflag:$0x2], $0x400, $0x38;
	[tilespmem:$0x2680] =	vst v63  }
0x52: {  	_ =	swait.ge [sflag:s3], $0x400  }
0x53: {  	[sflag:s3] =	ssyncset.done $0x0  }
0x54: {  	[sflag:s3] =	ssyncadd.s32 $0xFFFFFC00  }
0x55: {  	[hbm4b:s10+s2] =	stream.linear.scatter [tilespmem:s5], [sflag:$0x2], $0x80, $0x38;
	[tilespmem:$0x2680] =	vst v63  }
0x56: {  	_ =	swait.ge [sflag:s3], $0x80  }
0x57: {  	[sflag:s3] =	ssyncset.done $0x0  }
0x58: {  	[sflag:s3] =	ssyncadd.s32 $0xFFFFFF80  }
0x59: {  	[hbm4b:s12+s2] =	stream.linear.scatter [tilespmem:s4], [sflag:$0x2], $0x1000, $0x38;
	[tilespmem:$0x2680] =	vst v63  }
0x5a: {  	_ =	swait.ge [sflag:s3], $0x1000  }
0x5b: {  	[sflag:s3] =	ssyncset.done $0x0  }
0x5c: {  	[sflag:s3] =	ssyncadd.s32 $0xFFFFF000  }
0x5d: {  	[hbm4b:s11+s2] =	stream.linear.scatter [tilespmem:s13], [sflag:$0x2], $0x80, $0x38;
	[tilespmem:$0x2680] =	vst v63  }
0x5e: {  	_ =	swait.ge [sflag:s3], $0x80  }
0x5f: {  	[sflag:s3] =	ssyncset.done $0x0  }
0x60: {  	[sflag:s3] =	ssyncadd.s32 $0xFFFFFF80  }
0x61: {  	[tilespmem:s2], [sflag:$0x2] =	stream.linear.gather [hbm4b:s9+s2], $0x80, $0x38;
	[tilespmem:$0x2680] =	vst v63  }
0x62: {  	_ =	swait.ge [sflag:s3], $0x80  }
0x63: {  	[sflag:s3] =	ssyncset.done $0x0  }
0x64: {  	[sflag:s3] =	ssyncadd.s32 $0xFFFFFF80  }
0x65: {  	v0 =	vld [tilespmem:$0x20]  }
0x66: {  	v1 =	vld [tilespmem:$0x70]  }
0x67: {  	v2 =	vld [tilespmem:$0x40]  }
0x68: {  	v3 =	vld [tilespmem:$0x60]  }
0x69: {  	v4 =	vld [tilespmem:$0x30];
	_ =	sdelay $0x1  }
0x6a: {  	v5 =	vld [tilespmem:$0x10]  }
0x6b: {  	v6 =	vld [tilespmem:$0x0];
	v2 =	vshrl.u32 v2, $0x2  }
0x6c: {  	v1 =	vshrl.u32 v1, $0x2;
	[tilespmem:$0xC0] =	vst v2;
	v2 =	vld [tilespmem:$0x50];
	v3 =	vshrl.u32 v3, $0x2  }
0x6d: {  	v0 =	vshrl.u32 v0, $0x2;
	v4 =	vshrl.u32 v4, $0x2;
	[tilespmem:$0xE0] =	vst v3  }
0x6e: {  	[tilespmem:$0xB0] =	vst v4  }
0x6f: {  	v3 =	vshrl.u32 v5, $0x2;
	[tilespmem:$0xF0] =	vst v1  }
0x70: {  	v1 =	vshrl.u32 v6, $0x2;
	[tilespmem:$0x90] =	vst v3  }
0x71: {  	[tilespmem:$0x80] =	vst v1;
	v1 =	vshrl.u32 v2, $0x2  }
0x72: {  	[tilespmem:$0xD0] =	vst v1  }
0x73: {  	[tilespmem:$0xA0] =	vst v0  }
0x74: {  	[tilespmem:s6], [sflag:$0x1] =	stream.indirect.gather [hbm4b:s16+s17], $0x20, s2, s17, $0xb8;
	[tilespmem:$0x2680] =	vst v63  }
0x75: {  	_ = 	snop  }
0x76: {  	[tilespmem:s7], [sflag:$0x1] =	stream.indirect.gather [hbm4b:s18+s17], $0x8, s2, s17, $0xb8;
	[tilespmem:$0x2680] =	vst v63  }
0x77: {  	_ = 	snop  }
0x78: {  	[tilespmem:s5], [sflag:$0x1] =	stream.indirect.gather [hbm4b:s8+s17], $0x1, s2, s17, $0xb8;
	[tilespmem:$0x2680] =	vst v63  }
0x79: {  	_ = 	snop  }
0x7a: {  	[tilespmem:s4], [sflag:$0x1] =	stream.indirect.gather [hbm4b:s19+s17], $0x20, s2, s17, $0xb8;
	[tilespmem:$0x2680] =	vst v63  }
0x7b: {  	_ = 	snop  }
0x7c: {  	[tilespmem:s21], [sflag:$0x1] =	stream.indirect.gather [hbm4b:s20+s17], $0x1, s17, s17, $0xb8;
	[tilespmem:$0x2680] =	vst v63  }
0x7d: {  	_ =	swait.ge [sflag:s22], $0x1000  }
0x7e: {  	[sflag:s22] =	ssyncset.done $0x0  }
0x7f: {  	[sflag:s22] =	ssyncadd.s32 $0xFFFFF000  }
0x80: {  	_ =	swait.ge [sflag:s22], $0x400  }
0x81: {  	[sflag:s22] =	ssyncset.done $0x0  }
0x82: {  	[sflag:s22] =	ssyncadd.s32 $0xFFFFFC00  }
0x83: {  	_ =	swait.ge [sflag:s22], $0x80  }
0x84: {  	[sflag:s22] =	ssyncset.done $0x0  }
0x85: {  	[sflag:s22] =	ssyncadd.s32 $0xFFFFFF80  }
0x86: {  	_ =	swait.ge [sflag:s22], $0x1000  }
0x87: {  	[sflag:s22] =	ssyncset.done $0x0  }
0x88: {  	[sflag:s22] =	ssyncadd.s32 $0xFFFFF000  }
0x89: {  	_ =	swait.ge [sflag:s22], $0x80  }
0x8a: {  	[sflag:s22] =	ssyncset.done $0x0  }
0x8b: {  	[sflag:s22] =	ssyncadd.s32 $0xFFFFFF80  }
0x8c: {  	v0 =	vld [tilespmem:$0x25C0]  }
.Ltmp1:
0x8d: {  	v1 =	vld [tilespmem:$0x25B0];
	(pc) =	sbr.rel @p0 .LBB2_1-.Ltmp1, $4  }
0x8e: {  	v3 =	vld [tilespmem:$0x25D0]  }
0x8f: {  	v4 =	vld [tilespmem:$0x50]  }
0x90: {  	v2 =	vld [tilespmem:$0x2590]  }
0x91: {  	v5 =	vld [tilespmem:$0x10]  }
.LBB2_2:
0x92: {  	v6 =	vld [tilespmem:$0x40]  }
0x93: {  	v7 =	vld [tilespmem:$0x30]  }
0x94: {  	v8 =	vld [tilespmem:$0x0]  }
0x95: {  	v9 =	vld [tilespmem:$0x20]  }
0x96: {  	v12 =	vld [tilespmem:$0x60]  }
0x97: {  	v49 =	vld [tilespmem:$0x70];
	v4 =	vshll.u32 v4, $0x3  }
0x98: {  	v10 =	vld [tilespmem:$0x2580];
	v4 =	vand.u32 $0x18, v4  }
0x99: {  	v11 =	vld [tilespmem:$0x25A0];
	v5 =	vshll.u32 v5, $0x3;
	v3 =	vshrl.u32 v3, v4;
	v6 =	vshll.u32 v6, $0x3  }
0x9a: {  	v8 =	vshll.u32 v8, $0x3;
	v7 =	vshll.u32 v7, $0x3;
	v9 =	vshll.u32 v9, $0x3  }
0x9b: {  	v3 =	vand.u32 $0xFF, v3;
	v55 =	vshll.u32 v12, $0x3;
	v59 =	vand.u32 $0x18, v5  }
0x9c: {  	v50 =	vld [tilespmem:$0x25E0];
	v4 =	vshll.u32 v49, $0x3;
	v8 =	vand.u32 $0x18, v8;
	v2 =	vshrl.u32 v2, v59  }
0x9d: {  	v51 =	vld [tilespmem:$0x25F0];
	v9 =	vand.u32 $0x18, v9;
	[tilespmem:$0x2650] =	vst v3;
	v8 =	vshrl.u32 v10, v8;
	v63 =	vand.u32 $0xFF, v2  }
0x9e: {  	v7 =	vand.u32 $0x18, v7;
	v53 =	vshrl.u32 v11, v9;
	v52 =	vand.u32 $0xFF, v8;
	[tilespmem:$0x2610] =	vst v63  }
0x9f: {  	v6 =	vand.u32 $0x18, v6;
	v1 =	vshrl.u32 v1, v7;
	v54 =	vand.u32 $0xFF, v53;
	[tilespmem:$0x2600] =	vst v52  }
0xa0: {  	v56 =	vand.u32 $0x18, v55;
	v0 =	vshrl.u32 v0, v6;
	v1 =	vand.u32 $0xFF, v1;
	[tilespmem:$0x2620] =	vst v54  }
0xa1: {  	v58 =	vand.u32 $0x18, v4;
	v57 =	vshrl.u32 v50, v56;
	v0 =	vand.u32 $0xFF, v0;
	[tilespmem:$0x2630] =	vst v1  }
0xa2: {  	v61 =	vshrl.u32 v51, v58;
	v60 =	vand.u32 $0xFF, v57;
	[tilespmem:$0x2640] =	vst v0  }
0xa3: {  	v62 =	vand.u32 $0xFF, v61;
	[tilespmem:$0x2660] =	vst v60  }
0xa4: {  	[tilespmem:$0x2670] =	vst v62  }
0xa5: {  	[hbm4b:s15+s2] =	stream.linear.scatter [tilespmem:s6], [sflag:$0x2], $0x1000, $0x38;
	[tilespmem:$0x2680] =	vst v63  }
0xa6: {  	_ =	swait.ge [sflag:s3], $0x1000  }
0xa7: {  	[sflag:s3] =	ssyncset.done $0x0  }
0xa8: {  	[sflag:s3] =	ssyncadd.s32 $0xFFFFF000  }
0xa9: {  	[hbm4b:s14+s2] =	stream.linear.scatter [tilespmem:s7], [sflag:$0x2], $0x400, $0x38;
	[tilespmem:$0x2680] =	vst v63  }
0xaa: {  	_ =	swait.ge [sflag:s3], $0x400  }
0xab: {  	[sflag:s3] =	ssyncset.done $0x0  }
0xac: {  	[sflag:s3] =	ssyncadd.s32 $0xFFFFFC00  }
0xad: {  	[hbm4b:s10+s2] =	stream.linear.scatter [tilespmem:s5], [sflag:$0x2], $0x80, $0x38;
	[tilespmem:$0x2680] =	vst v63  }
0xae: {  	_ =	swait.ge [sflag:s3], $0x80  }
0xaf: {  	[sflag:s3] =	ssyncset.done $0x0  }
0xb0: {  	[sflag:s3] =	ssyncadd.s32 $0xFFFFFF80  }
0xb1: {  	[hbm4b:s12+s2] =	stream.linear.scatter [tilespmem:s4], [sflag:$0x2], $0x1000, $0x38;
	[tilespmem:$0x2680] =	vst v63  }
0xb2: {  	_ =	swait.ge [sflag:s3], $0x1000  }
0xb3: {  	[sflag:s3] =	ssyncset.done $0x0  }
0xb4: {  	[sflag:s3] =	ssyncadd.s32 $0xFFFFF000  }
0xb5: {  	[hbm4b:s11+s2] =	stream.linear.scatter [tilespmem:s13], [sflag:$0x2], $0x80, $0x38;
	[tilespmem:$0x2680] =	vst v63  }
0xb6: {  	_ =	swait.ge [sflag:s3], $0x80  }
0xb7: {  	[sflag:s3] =	ssyncset.done $0x0  }
0xb8: {  	[sflag:s3] =	ssyncadd.s32 $0xFFFFFF80  }
0xb9: {  	_ =	sfence.sel $0x180000  }
0xba: {  	[bflag:$0x0] =	sbarrier.arrive $0xFFFF  }
0xbb: {  	p0 =	sne.s32 s0, $0x0;
	_ =	strace $0x90000047  }
0xbc: {  	s0 =	sadd.s32 @!p0 $0x100000, s1;
	[bflag:$0x2] =	sbarrier.arrive $0xFFFF  }
0xbd: {  	[sflag:s0] =	ssyncadd.tile.s32 @!p0 $0x1;
	_ =	shalt  }
.Lfunc_end2:
_tile_overlayer_lowered:
.L_overlay_start_2:
0xbe: {  	(tag) =	ssettag $0x2  }
0xbf: {  	s0 =	rddreg [dreg:$0x0];
	s2 =	stileid.u32  }
0xc0: {  	s1 =	rddreg [dreg:$0x1];
	p0 =	sne.s32 s2, $0x0  }
0xc1: {  	s3 =	rddreg [dreg:$0x2];
	[bflag:$0x3] =	sbarrier.arrive $0xFFFF;
	s2 =	simm.s32 @!p0 $0x1C02  }
0xc2: {  	[timem:s3], [sflag:s2] =	dma.local @!p0 [hbm:s0], s1  }
0xc3: {  	s0 =	simm.s32 @!p0 $0x2  }
0xc4: {  	_ =	swait.ge @!p0 [sflag:s0], s1  }
0xc5: {  	s1 =	ssub.s32 @!p0 $0x0, s1;
	[sflag:s0] =	ssyncset.done @!p0 $0x0  }
0xc6: {  	[sflag:s0] =	ssyncadd.s32 @!p0 s1  }
0xc7: {  	[bflag:$0x3] =	sbarrier.arrive $0xFFFF  }
0xc8: {  	_ =	shalt  }

</sc_bundles>
